<compile_context>
chip_gen: v7x
topology: tpu7x:2x2x1
jax: 0.10.2.dev20260603
libtpu: 0.0.44.dev20260713+nightly
codegen_flags: <defaults>
</compile_context>

<pallas_src>
import functools

import jax
import jax.numpy as jnp
from jax import lax
from jax.experimental import pallas as pl
from jax.experimental.pallas import tpu as pltpu
from jax.experimental.pallas import tpu_sc as plsc

EMBED_DIM = 128
NUM_CORES = 2
NUM_SUBCORES = 16
NUM_WORKERS = NUM_CORES * NUM_SUBCORES
CHUNK = 128
NBUF = 5
LAG = 3


@functools.lru_cache(maxsize=None)
def _make_kernel(hist, batch, dim):
    n_steps = hist
    assert batch == NUM_WORKERS * CHUNK
    assert n_steps % NBUF == 0 and n_steps >= 2 * NBUF
    n_groups = n_steps // NBUF
    mesh = plsc.VectorSubcoreMesh(core_axis_name="c", subcore_axis_name="s")

    @functools.partial(
        pl.kernel,
        mesh=mesh,
        out_type=jax.ShapeDtypeStruct((hist * batch, dim), jnp.float32),
        scratch_types=[
            pltpu.VMEM((n_steps, CHUNK), jnp.int32),
        ]
        + [pltpu.VMEM((CHUNK, dim), jnp.float32)] * NBUF
        + [pltpu.SemaphoreType.DMA] * (2 * NBUF),
    )
    def emb_kernel(idx_hbm, table_hbm, out_hbm, idx_v, *rest):
        bufs = rest[:NBUF]
        gsem = rest[NBUF : 2 * NBUF]
        wsem = rest[2 * NBUF : 3 * NBUF]
        wid = lax.axis_index("s") * NUM_CORES + lax.axis_index("c")
        pltpu.sync_copy(idx_hbm.at[:, pl.ds(wid * CHUNK, CHUNK)], idx_v)

        def fire_gather(j, b):
            pltpu.async_copy(table_hbm.at[idx_v.at[j]], bufs[b], gsem[b])

        def wait_gather(b):
            pltpu.make_async_copy(table_hbm.at[pl.ds(0, CHUNK)], bufs[b], gsem[b]).wait()

        def fire_write(j, b):
            pltpu.async_copy(
                bufs[b], out_hbm.at[pl.ds(j * batch + wid * CHUNK, CHUNK)], wsem[b]
            )

        def wait_write(b):
            pltpu.make_async_copy(bufs[b], out_hbm.at[pl.ds(0, CHUNK)], wsem[b]).wait()

        for j in range(NBUF):
            fire_gather(j, j)
            if j >= LAG:
                b2 = j - LAG
                wait_gather(b2)
                fire_write(b2, b2)

        def group(g, carry):
            j0 = g * NBUF
            for b in range(NBUF):
                wait_write(b)
                fire_gather(j0 + b, b)
                b2 = (b - LAG) % NBUF
                wait_gather(b2)
                fire_write(j0 + b - LAG, b2)
            return carry

        lax.fori_loop(1, n_groups, group, 0)

        for k in range(LAG):
            j = n_steps - LAG + k
            b2 = j % NBUF
            wait_gather(b2)
            fire_write(j, b2)
        for b in range(NBUF):
            wait_write(b)

    return emb_kernel


def kernel(x, weight):
    batch, hist = x.shape
    dim = weight.shape[1]
    xt = jnp.transpose(x).astype(jnp.int32)
    out = _make_kernel(hist, batch, dim)(xt, weight)
    return jnp.transpose(out.reshape(hist, batch, dim), (1, 0, 2))

# --- scband reference (transcript-rebuilt; emitter-appended) ---
"""Pipeline reference for scband-embedding-12670153523407 (READ-ONLY COPY).

The authoritative reference and input builder live on the scoring server;
editing this copy changes nothing except your own understanding.
"""

import jax, jax.numpy as jnp
import numpy as np

VOCAB = 100000
EMBED_DIM = 128
BATCH = 4096
HIST = 50


def _xavier_uniform(key, shape, dtype=jnp.float32):
    fan_in, fan_out = shape[1], shape[0]
    limit = float(np.sqrt(6.0 / (fan_in + fan_out)))
    return jax.random.uniform(key, shape, dtype=dtype, minval=-limit, maxval=limit)


def setup_inputs(seed: int = 0) -> dict:
    key = jax.random.key(seed)
    k_idx, k_w = jax.random.split(key)
    x = jax.random.randint(k_idx, (BATCH, HIST), 0, VOCAB, dtype=jnp.int64)
    # nn.Embedding weight with xavier_uniform init (fan_in=embed_dim, fan_out=vocab)
    weight = _xavier_uniform(k_w, (VOCAB, EMBED_DIM))
    return {"x": x, "weight": weight}


def reference(x, weight):
    # Embedding.forward: self.embedding(x) -> table gather
    # (eval mode: input_dropout=0, so no mask path)
    return jnp.take(weight, x, axis=0)

if __name__ == "__main__":
    import jax
    _d = setup_inputs()
    print(jax.jit(kernel)(*tuple(_d.values())))

</pallas_src>

<mosaic_0001>
#map = affine_map<(d0, d1) -> (0, 0)>
module attributes {stable_mosaic.version = 14 : i64} {
  func.func @emb_kernel(%arg0: i32, %arg1: i32, %arg2: memref<50x4096xi32, #tpu.memory_space<hbm>>, %arg3: memref<100000x128xf32, #tpu.memory_space<hbm>>, %arg4: memref<204800x128xf32, #tpu.memory_space<hbm>>, %arg5: memref<50x128xi32, #tpu.memory_space<vmem>>, %arg6: memref<128x128xf32, #tpu.memory_space<vmem>>, %arg7: memref<128x128xf32, #tpu.memory_space<vmem>>, %arg8: memref<128x128xf32, #tpu.memory_space<vmem>>, %arg9: memref<128x128xf32, #tpu.memory_space<vmem>>, %arg10: memref<128x128xf32, #tpu.memory_space<vmem>>, %arg11: memref<!tpu.dma_semaphore, #tpu.memory_space<semaphore_mem>>, %arg12: memref<!tpu.dma_semaphore, #tpu.memory_space<semaphore_mem>>, %arg13: memref<!tpu.dma_semaphore, #tpu.memory_space<semaphore_mem>>, %arg14: memref<!tpu.dma_semaphore, #tpu.memory_space<semaphore_mem>>, %arg15: memref<!tpu.dma_semaphore, #tpu.memory_space<semaphore_mem>>, %arg16: memref<!tpu.dma_semaphore, #tpu.memory_space<semaphore_mem>>, %arg17: memref<!tpu.dma_semaphore, #tpu.memory_space<semaphore_mem>>, %arg18: memref<!tpu.dma_semaphore, #tpu.memory_space<semaphore_mem>>, %arg19: memref<!tpu.dma_semaphore, #tpu.memory_space<semaphore_mem>>, %arg20: memref<!tpu.dma_semaphore, #tpu.memory_space<semaphore_mem>>) attributes {dimension_semantics = [#tpu.dimension_semantics<core_parallel>, #tpu.dimension_semantics<subcore_parallel>], iteration_bounds = array<i64: 2, 16>, scalar_prefetch = 0 : i64, scratch_operands = 16 : i64, tpu.core_type = #tpu.core_type<sc_vector_subcore>, window_params = [{transform_indices = #map}, {transform_indices = #map}, {transform_indices = #map}]} {
    %mul3A = arith.constant 2 : i32
    %mul3A_0 = arith.muli %arg1, %mul3A : i32
    %add3A = arith.addi %mul3A_0, %arg0 : i32
    %mul3A_1 = arith.constant 128 : i32
    %mul3A_2 = arith.muli %add3A, %mul3A_1 : i32
    "tpu.region"() ({
      %run_scoped3A = tpu.sem_alloc : memref<!tpu.dma_semaphore, #tpu.memory_space<semaphore_mem>>
      %dma_start3A_141 = arith.constant 0 : i32
      %dma_start3A_142 = tpu.memref_slice %arg2[%dma_start3A_141, %mul3A_2] : memref<50x4096xi32, #tpu.memory_space<hbm>> -> memref<50x128xi32, #tpu.memory_space<hbm>>
      %dma_start3A_143 = arith.constant 0 : i32
      %dma_start3A_144 = tpu.memref_slice %arg2[%dma_start3A_143, %mul3A_2] : memref<50x4096xi32, #tpu.memory_space<hbm>> -> memref<50x128xi32, #tpu.memory_space<hbm>>
      tpu.enqueue_dma source(%dma_start3A_144 : memref<50x128xi32, #tpu.memory_space<hbm>>) target(%arg5 : memref<50x128xi32, #tpu.memory_space<vmem>>) target_semaphore(%run_scoped3A : memref<!tpu.dma_semaphore, #tpu.memory_space<semaphore_mem>>)
      %dma_wait3A_145 = arith.constant 0 : i32
      %dma_wait3A_146 = tpu.memref_slice %arg2[%dma_wait3A_145, %mul3A_2] : memref<50x4096xi32, #tpu.memory_space<hbm>> -> memref<50x128xi32, #tpu.memory_space<hbm>>
      %dma_wait3A_147 = arith.constant 0 : i32
      %dma_wait3A_148 = tpu.memref_slice %arg2[%dma_wait3A_147, %mul3A_2] : memref<50x4096xi32, #tpu.memory_space<hbm>> -> memref<50x128xi32, #tpu.memory_space<hbm>>
      tpu.wait_dma2 semaphore(%run_scoped3A : memref<!tpu.dma_semaphore, #tpu.memory_space<semaphore_mem>>) src(%dma_wait3A_148 : memref<50x128xi32, #tpu.memory_space<hbm>>) dst(%arg5 : memref<50x128xi32, #tpu.memory_space<vmem>>)
      tpu.yield
    }) : () -> ()
    %dma_start3A = arith.constant 0 : i32
    %dma_start3A_3 = arith.constant 0 : i32
    %dma_start3A_4 = tpu.memref_slice %arg5[%dma_start3A, %dma_start3A_3] : memref<50x128xi32, #tpu.memory_space<vmem>> -> memref<1x128xi32, #tpu.memory_space<vmem>>
    %dma_start3A_5 = tpu.memref_squeeze %dma_start3A_4 : memref<1x128xi32, #tpu.memory_space<vmem>> -> memref<128xi32, #tpu.memory_space<vmem>>
    %dma_start3A_6 = arith.constant 0 : i32
    %dma_start3A_7 = arith.constant 0 : i32
    %dma_start3A_8 = tpu.memref_slice %arg3[%dma_start3A_6, %dma_start3A_7] : memref<100000x128xf32, #tpu.memory_space<hbm>> -> memref<100000x128xf32, #tpu.memory_space<hbm>>
    tpu.enqueue_indirect_dma source(%dma_start3A_8 : memref<100000x128xf32, #tpu.memory_space<hbm>>) target(%arg6 : memref<128x128xf32, #tpu.memory_space<vmem>>) offsets(%dma_start3A_5 : memref<128xi32, #tpu.memory_space<vmem>>) semaphore(%arg11 : memref<!tpu.dma_semaphore, #tpu.memory_space<semaphore_mem>>)
    %dma_start3A_9 = arith.constant 1 : i32
    %dma_start3A_10 = arith.constant 0 : i32
    %dma_start3A_11 = tpu.memref_slice %arg5[%dma_start3A_9, %dma_start3A_10] : memref<50x128xi32, #tpu.memory_space<vmem>> -> memref<1x128xi32, #tpu.memory_space<vmem>>
    %dma_start3A_12 = tpu.memref_squeeze %dma_start3A_11 : memref<1x128xi32, #tpu.memory_space<vmem>> -> memref<128xi32, #tpu.memory_space<vmem>>
    %dma_start3A_13 = arith.constant 0 : i32
    %dma_start3A_14 = arith.constant 0 : i32
    %dma_start3A_15 = tpu.memref_slice %arg3[%dma_start3A_13, %dma_start3A_14] : memref<100000x128xf32, #tpu.memory_space<hbm>> -> memref<100000x128xf32, #tpu.memory_space<hbm>>
    tpu.enqueue_indirect_dma source(%dma_start3A_15 : memref<100000x128xf32, #tpu.memory_space<hbm>>) target(%arg7 : memref<128x128xf32, #tpu.memory_space<vmem>>) offsets(%dma_start3A_12 : memref<128xi32, #tpu.memory_space<vmem>>) semaphore(%arg12 : memref<!tpu.dma_semaphore, #tpu.memory_space<semaphore_mem>>)
    %dma_start3A_16 = arith.constant 2 : i32
    %dma_start3A_17 = arith.constant 0 : i32
    %dma_start3A_18 = tpu.memref_slice %arg5[%dma_start3A_16, %dma_start3A_17] : memref<50x128xi32, #tpu.memory_space<vmem>> -> memref<1x128xi32, #tpu.memory_space<vmem>>
    %dma_start3A_19 = tpu.memref_squeeze %dma_start3A_18 : memref<1x128xi32, #tpu.memory_space<vmem>> -> memref<128xi32, #tpu.memory_space<vmem>>
    %dma_start3A_20 = arith.constant 0 : i32
    %dma_start3A_21 = arith.constant 0 : i32
    %dma_start3A_22 = tpu.memref_slice %arg3[%dma_start3A_20, %dma_start3A_21] : memref<100000x128xf32, #tpu.memory_space<hbm>> -> memref<100000x128xf32, #tpu.memory_space<hbm>>
    tpu.enqueue_indirect_dma source(%dma_start3A_22 : memref<100000x128xf32, #tpu.memory_space<hbm>>) target(%arg8 : memref<128x128xf32, #tpu.memory_space<vmem>>) offsets(%dma_start3A_19 : memref<128xi32, #tpu.memory_space<vmem>>) semaphore(%arg13 : memref<!tpu.dma_semaphore, #tpu.memory_space<semaphore_mem>>)
    %dma_start3A_23 = arith.constant 3 : i32
    %dma_start3A_24 = arith.constant 0 : i32
    %dma_start3A_25 = tpu.memref_slice %arg5[%dma_start3A_23, %dma_start3A_24] : memref<50x128xi32, #tpu.memory_space<vmem>> -> memref<1x128xi32, #tpu.memory_space<vmem>>
    %dma_start3A_26 = tpu.memref_squeeze %dma_start3A_25 : memref<1x128xi32, #tpu.memory_space<vmem>> -> memref<128xi32, #tpu.memory_space<vmem>>
    %dma_start3A_27 = arith.constant 0 : i32
    %dma_start3A_28 = arith.constant 0 : i32
    %dma_start3A_29 = tpu.memref_slice %arg3[%dma_start3A_27, %dma_start3A_28] : memref<100000x128xf32, #tpu.memory_space<hbm>> -> memref<100000x128xf32, #tpu.memory_space<hbm>>
    tpu.enqueue_indirect_dma source(%dma_start3A_29 : memref<100000x128xf32, #tpu.memory_space<hbm>>) target(%arg9 : memref<128x128xf32, #tpu.memory_space<vmem>>) offsets(%dma_start3A_26 : memref<128xi32, #tpu.memory_space<vmem>>) semaphore(%arg14 : memref<!tpu.dma_semaphore, #tpu.memory_space<semaphore_mem>>)
    %dma_wait3A = arith.constant 0 : i32
    %dma_wait3A_30 = arith.constant 0 : i32
    %dma_wait3A_31 = tpu.memref_slice %arg3[%dma_wait3A, %dma_wait3A_30] : memref<100000x128xf32, #tpu.memory_space<hbm>> -> memref<128x128xf32, #tpu.memory_space<hbm>>
    %dma_wait3A_32 = arith.constant 0 : i32
    %dma_wait3A_33 = arith.constant 0 : i32
    %dma_wait3A_34 = tpu.memref_slice %arg3[%dma_wait3A_32, %dma_wait3A_33] : memref<100000x128xf32, #tpu.memory_space<hbm>> -> memref<128x128xf32, #tpu.memory_space<hbm>>
    tpu.wait_dma2 semaphore(%arg11 : memref<!tpu.dma_semaphore, #tpu.memory_space<semaphore_mem>>) src(%dma_wait3A_34 : memref<128x128xf32, #tpu.memory_space<hbm>>) dst(%arg6 : memref<128x128xf32, #tpu.memory_space<vmem>>)
    %mul3A_35 = arith.constant 128 : i32
    %mul3A_36 = arith.muli %add3A, %mul3A_35 : i32
    %add3A_37 = arith.constant 0 : i32
    %add3A_38 = arith.addi %add3A_37, %mul3A_36 : i32
    %dma_start3A_39 = arith.constant 0 : i32
    %dma_start3A_40 = tpu.memref_slice %arg4[%add3A_38, %dma_start3A_39] : memref<204800x128xf32, #tpu.memory_space<hbm>> -> memref<128x128xf32, #tpu.memory_space<hbm>>
    %dma_start3A_41 = arith.constant 0 : i32
    %dma_start3A_42 = tpu.memref_slice %arg4[%add3A_38, %dma_start3A_41] : memref<204800x128xf32, #tpu.memory_space<hbm>> -> memref<128x128xf32, #tpu.memory_space<hbm>>
    tpu.enqueue_dma source(%arg6 : memref<128x128xf32, #tpu.memory_space<vmem>>) target(%dma_start3A_42 : memref<128x128xf32, #tpu.memory_space<hbm>>) target_semaphore(%arg16 : memref<!tpu.dma_semaphore, #tpu.memory_space<semaphore_mem>>)
    %dma_start3A_43 = arith.constant 4 : i32
    %dma_start3A_44 = arith.constant 0 : i32
    %dma_start3A_45 = tpu.memref_slice %arg5[%dma_start3A_43, %dma_start3A_44] : memref<50x128xi32, #tpu.memory_space<vmem>> -> memref<1x128xi32, #tpu.memory_space<vmem>>
    %dma_start3A_46 = tpu.memref_squeeze %dma_start3A_45 : memref<1x128xi32, #tpu.memory_space<vmem>> -> memref<128xi32, #tpu.memory_space<vmem>>
    %dma_start3A_47 = arith.constant 0 : i32
    %dma_start3A_48 = arith.constant 0 : i32
    %dma_start3A_49 = tpu.memref_slice %arg3[%dma_start3A_47, %dma_start3A_48] : memref<100000x128xf32, #tpu.memory_space<hbm>> -> memref<100000x128xf32, #tpu.memory_space<hbm>>
    tpu.enqueue_indirect_dma source(%dma_start3A_49 : memref<100000x128xf32, #tpu.memory_space<hbm>>) target(%arg10 : memref<128x128xf32, #tpu.memory_space<vmem>>) offsets(%dma_start3A_46 : memref<128xi32, #tpu.memory_space<vmem>>) semaphore(%arg15 : memref<!tpu.dma_semaphore, #tpu.memory_space<semaphore_mem>>)
    %dma_wait3A_50 = arith.constant 0 : i32
    %dma_wait3A_51 = arith.constant 0 : i32
    %dma_wait3A_52 = tpu.memref_slice %arg3[%dma_wait3A_50, %dma_wait3A_51] : memref<100000x128xf32, #tpu.memory_space<hbm>> -> memref<128x128xf32, #tpu.memory_space<hbm>>
    %dma_wait3A_53 = arith.constant 0 : i32
    %dma_wait3A_54 = arith.constant 0 : i32
    %dma_wait3A_55 = tpu.memref_slice %arg3[%dma_wait3A_53, %dma_wait3A_54] : memref<100000x128xf32, #tpu.memory_space<hbm>> -> memref<128x128xf32, #tpu.memory_space<hbm>>
    tpu.wait_dma2 semaphore(%arg12 : memref<!tpu.dma_semaphore, #tpu.memory_space<semaphore_mem>>) src(%dma_wait3A_55 : memref<128x128xf32, #tpu.memory_space<hbm>>) dst(%arg7 : memref<128x128xf32, #tpu.memory_space<vmem>>)
    %mul3A_56 = arith.constant 128 : i32
    %mul3A_57 = arith.muli %add3A, %mul3A_56 : i32
    %add3A_58 = arith.constant 4096 : i32
    %add3A_59 = arith.addi %add3A_58, %mul3A_57 : i32
    %dma_start3A_60 = arith.constant 0 : i32
    %dma_start3A_61 = tpu.memref_slice %arg4[%add3A_59, %dma_start3A_60] : memref<204800x128xf32, #tpu.memory_space<hbm>> -> memref<128x128xf32, #tpu.memory_space<hbm>>
    %dma_start3A_62 = arith.constant 0 : i32
    %dma_start3A_63 = tpu.memref_slice %arg4[%add3A_59, %dma_start3A_62] : memref<204800x128xf32, #tpu.memory_space<hbm>> -> memref<128x128xf32, #tpu.memory_space<hbm>>
    tpu.enqueue_dma source(%arg7 : memref<128x128xf32, #tpu.memory_space<vmem>>) target(%dma_start3A_63 : memref<128x128xf32, #tpu.memory_space<hbm>>) target_semaphore(%arg17 : memref<!tpu.dma_semaphore, #tpu.memory_space<semaphore_mem>>)
    %scan3A = arith.constant 0 : i32
    %scan3A_64 = arith.constant 1 : i32
    %scan3A_65 = arith.constant 9 : i32
    %scan3A_66 = arith.addi %scan3A_64, %scan3A_65 : i32
    %scan3A_67 = arith.constant 1 : i32
    scf.for %scan3A_141 = %scan3A_64 to %scan3A_66 step %scan3A_67  : i32 {
      %mul3A_142 = arith.constant 5 : i32
      %mul3A_143 = arith.muli %scan3A_141, %mul3A_142 : i32
      %dma_wait3A_144 = arith.constant 0 : i32
      %dma_wait3A_145 = arith.constant 0 : i32
      %dma_wait3A_146 = tpu.memref_slice %arg4[%dma_wait3A_144, %dma_wait3A_145] : memref<204800x128xf32, #tpu.memory_space<hbm>> -> memref<128x128xf32, #tpu.memory_space<hbm>>
      %dma_wait3A_147 = arith.constant 0 : i32
      %dma_wait3A_148 = arith.constant 0 : i32
      %dma_wait3A_149 = tpu.memref_slice %arg4[%dma_wait3A_147, %dma_wait3A_148] : memref<204800x128xf32, #tpu.memory_space<hbm>> -> memref<128x128xf32, #tpu.memory_space<hbm>>
      tpu.wait_dma2 semaphore(%arg16 : memref<!tpu.dma_semaphore, #tpu.memory_space<semaphore_mem>>) src(%arg6 : memref<128x128xf32, #tpu.memory_space<vmem>>) dst(%dma_wait3A_149 : memref<128x128xf32, #tpu.memory_space<hbm>>)
      %add3A_150 = arith.constant 0 : i32
      %add3A_151 = arith.addi %mul3A_143, %add3A_150 : i32
      %dma_start3A_152 = arith.constant 0 : i32
      %dma_start3A_153 = tpu.memref_slice %arg5[%add3A_151, %dma_start3A_152] : memref<50x128xi32, #tpu.memory_space<vmem>> -> memref<1x128xi32, #tpu.memory_space<vmem>>
      %dma_start3A_154 = tpu.memref_squeeze %dma_start3A_153 : memref<1x128xi32, #tpu.memory_space<vmem>> -> memref<128xi32, #tpu.memory_space<vmem>>
      %dma_start3A_155 = arith.constant 0 : i32
      %dma_start3A_156 = arith.constant 0 : i32
      %dma_start3A_157 = tpu.memref_slice %arg3[%dma_start3A_155, %dma_start3A_156] : memref<100000x128xf32, #tpu.memory_space<hbm>> -> memref<100000x128xf32, #tpu.memory_space<hbm>>
      tpu.enqueue_indirect_dma source(%dma_start3A_157 : memref<100000x128xf32, #tpu.memory_space<hbm>>) target(%arg6 : memref<128x128xf32, #tpu.memory_space<vmem>>) offsets(%dma_start3A_154 : memref<128xi32, #tpu.memory_space<vmem>>) semaphore(%arg11 : memref<!tpu.dma_semaphore, #tpu.memory_space<semaphore_mem>>)
      %dma_wait3A_158 = arith.constant 0 : i32
      %dma_wait3A_159 = arith.constant 0 : i32
      %dma_wait3A_160 = tpu.memref_slice %arg3[%dma_wait3A_158, %dma_wait3A_159] : memref<100000x128xf32, #tpu.memory_space<hbm>> -> memref<128x128xf32, #tpu.memory_space<hbm>>
      %dma_wait3A_161 = arith.constant 0 : i32
      %dma_wait3A_162 = arith.constant 0 : i32
      %dma_wait3A_163 = tpu.memref_slice %arg3[%dma_wait3A_161, %dma_wait3A_162] : memref<100000x128xf32, #tpu.memory_space<hbm>> -> memref<128x128xf32, #tpu.memory_space<hbm>>
      tpu.wait_dma2 semaphore(%arg13 : memref<!tpu.dma_semaphore, #tpu.memory_space<semaphore_mem>>) src(%dma_wait3A_163 : memref<128x128xf32, #tpu.memory_space<hbm>>) dst(%arg8 : memref<128x128xf32, #tpu.memory_space<vmem>>)
      %add3A_164 = arith.constant 0 : i32
      %add3A_165 = arith.addi %mul3A_143, %add3A_164 : i32
      %sub3A = arith.constant 3 : i32
      %sub3A_166 = arith.subi %add3A_165, %sub3A : i32
      %mul3A_167 = arith.constant 4096 : i32
      %mul3A_168 = arith.muli %sub3A_166, %mul3A_167 : i32
      %mul3A_169 = arith.constant 128 : i32
      %mul3A_170 = arith.muli %add3A, %mul3A_169 : i32
      %add3A_171 = arith.addi %mul3A_168, %mul3A_170 : i32
      %dma_start3A_172 = arith.constant 0 : i32
      %dma_start3A_173 = tpu.memref_slice %arg4[%add3A_171, %dma_start3A_172] : memref<204800x128xf32, #tpu.memory_space<hbm>> -> memref<128x128xf32, #tpu.memory_space<hbm>>
      %dma_start3A_174 = arith.constant 0 : i32
      %dma_start3A_175 = tpu.memref_slice %arg4[%add3A_171, %dma_start3A_174] : memref<204800x128xf32, #tpu.memory_space<hbm>> -> memref<128x128xf32, #tpu.memory_space<hbm>>
      tpu.enqueue_dma source(%arg8 : memref<128x128xf32, #tpu.memory_space<vmem>>) target(%dma_start3A_175 : memref<128x128xf32, #tpu.memory_space<hbm>>) target_semaphore(%arg18 : memref<!tpu.dma_semaphore, #tpu.memory_space<semaphore_mem>>)
      %dma_wait3A_176 = arith.constant 0 : i32
      %dma_wait3A_177 = arith.constant 0 : i32
      %dma_wait3A_178 = tpu.memref_slice %arg4[%dma_wait3A_176, %dma_wait3A_177] : memref<204800x128xf32, #tpu.memory_space<hbm>> -> memref<128x128xf32, #tpu.memory_space<hbm>>
      %dma_wait3A_179 = arith.constant 0 : i32
      %dma_wait3A_180 = arith.constant 0 : i32
      %dma_wait3A_181 = tpu.memref_slice %arg4[%dma_wait3A_179, %dma_wait3A_180] : memref<204800x128xf32, #tpu.memory_space<hbm>> -> memref<128x128xf32, #tpu.memory_space<hbm>>
      tpu.wait_dma2 semaphore(%arg17 : memref<!tpu.dma_semaphore, #tpu.memory_space<semaphore_mem>>) src(%arg7 : memref<128x128xf32, #tpu.memory_space<vmem>>) dst(%dma_wait3A_181 : memref<128x128xf32, #tpu.memory_space<hbm>>)
      %add3A_182 = arith.constant 1 : i32
      %add3A_183 = arith.addi %mul3A_143, %add3A_182 : i32
      %dma_start3A_184 = arith.constant 0 : i32
      %dma_start3A_185 = tpu.memref_slice %arg5[%add3A_183, %dma_start3A_184] : memref<50x128xi32, #tpu.memory_space<vmem>> -> memref<1x128xi32, #tpu.memory_space<vmem>>
      %dma_start3A_186 = tpu.memref_squeeze %dma_start3A_185 : memref<1x128xi32, #tpu.memory_space<vmem>> -> memref<128xi32, #tpu.memory_space<vmem>>
      %dma_start3A_187 = arith.constant 0 : i32
      %dma_start3A_188 = arith.constant 0 : i32
      %dma_start3A_189 = tpu.memref_slice %arg3[%dma_start3A_187, %dma_start3A_188] : memref<100000x128xf32, #tpu.memory_space<hbm>> -> memref<100000x128xf32, #tpu.memory_space<hbm>>
      tpu.enqueue_indirect_dma source(%dma_start3A_189 : memref<100000x128xf32, #tpu.memory_space<hbm>>) target(%arg7 : memref<128x128xf32, #tpu.memory_space<vmem>>) offsets(%dma_start3A_186 : memref<128xi32, #tpu.memory_space<vmem>>) semaphore(%arg12 : memref<!tpu.dma_semaphore, #tpu.memory_space<semaphore_mem>>)
      %dma_wait3A_190 = arith.constant 0 : i32
      %dma_wait3A_191 = arith.constant 0 : i32
      %dma_wait3A_192 = tpu.memref_slice %arg3[%dma_wait3A_190, %dma_wait3A_191] : memref<100000x128xf32, #tpu.memory_space<hbm>> -> memref<128x128xf32, #tpu.memory_space<hbm>>
      %dma_wait3A_193 = arith.constant 0 : i32
      %dma_wait3A_194 = arith.constant 0 : i32
      %dma_wait3A_195 = tpu.memref_slice %arg3[%dma_wait3A_193, %dma_wait3A_194] : memref<100000x128xf32, #tpu.memory_space<hbm>> -> memref<128x128xf32, #tpu.memory_space<hbm>>
      tpu.wait_dma2 semaphore(%arg14 : memref<!tpu.dma_semaphore, #tpu.memory_space<semaphore_mem>>) src(%dma_wait3A_195 : memref<128x128xf32, #tpu.memory_space<hbm>>) dst(%arg9 : memref<128x128xf32, #tpu.memory_space<vmem>>)
      %add3A_196 = arith.constant 1 : i32
      %add3A_197 = arith.addi %mul3A_143, %add3A_196 : i32
      %sub3A_198 = arith.constant 3 : i32
      %sub3A_199 = arith.subi %add3A_197, %sub3A_198 : i32
      %mul3A_200 = arith.constant 4096 : i32
      %mul3A_201 = arith.muli %sub3A_199, %mul3A_200 : i32
      %mul3A_202 = arith.constant 128 : i32
      %mul3A_203 = arith.muli %add3A, %mul3A_202 : i32
      %add3A_204 = arith.addi %mul3A_201, %mul3A_203 : i32
      %dma_start3A_205 = arith.constant 0 : i32
      %dma_start3A_206 = tpu.memref_slice %arg4[%add3A_204, %dma_start3A_205] : memref<204800x128xf32, #tpu.memory_space<hbm>> -> memref<128x128xf32, #tpu.memory_space<hbm>>
      %dma_start3A_207 = arith.constant 0 : i32
      %dma_start3A_208 = tpu.memref_slice %arg4[%add3A_204, %dma_start3A_207] : memref<204800x128xf32, #tpu.memory_space<hbm>> -> memref<128x128xf32, #tpu.memory_space<hbm>>
      tpu.enqueue_dma source(%arg9 : memref<128x128xf32, #tpu.memory_space<vmem>>) target(%dma_start3A_208 : memref<128x128xf32, #tpu.memory_space<hbm>>) target_semaphore(%arg19 : memref<!tpu.dma_semaphore, #tpu.memory_space<semaphore_mem>>)
      %dma_wait3A_209 = arith.constant 0 : i32
      %dma_wait3A_210 = arith.constant 0 : i32
      %dma_wait3A_211 = tpu.memref_slice %arg4[%dma_wait3A_209, %dma_wait3A_210] : memref<204800x128xf32, #tpu.memory_space<hbm>> -> memref<128x128xf32, #tpu.memory_space<hbm>>
      %dma_wait3A_212 = arith.constant 0 : i32
      %dma_wait3A_213 = arith.constant 0 : i32
      %dma_wait3A_214 = tpu.memref_slice %arg4[%dma_wait3A_212, %dma_wait3A_213] : memref<204800x128xf32, #tpu.memory_space<hbm>> -> memref<128x128xf32, #tpu.memory_space<hbm>>
      tpu.wait_dma2 semaphore(%arg18 : memref<!tpu.dma_semaphore, #tpu.memory_space<semaphore_mem>>) src(%arg8 : memref<128x128xf32, #tpu.memory_space<vmem>>) dst(%dma_wait3A_214 : memref<128x128xf32, #tpu.memory_space<hbm>>)
      %add3A_215 = arith.constant 2 : i32
      %add3A_216 = arith.addi %mul3A_143, %add3A_215 : i32
      %dma_start3A_217 = arith.constant 0 : i32
      %dma_start3A_218 = tpu.memref_slice %arg5[%add3A_216, %dma_start3A_217] : memref<50x128xi32, #tpu.memory_space<vmem>> -> memref<1x128xi32, #tpu.memory_space<vmem>>
      %dma_start3A_219 = tpu.memref_squeeze %dma_start3A_218 : memref<1x128xi32, #tpu.memory_space<vmem>> -> memref<128xi32, #tpu.memory_space<vmem>>
      %dma_start3A_220 = arith.constant 0 : i32
      %dma_start3A_221 = arith.constant 0 : i32
      %dma_start3A_222 = tpu.memref_slice %arg3[%dma_start3A_220, %dma_start3A_221] : memref<100000x128xf32, #tpu.memory_space<hbm>> -> memref<100000x128xf32, #tpu.memory_space<hbm>>
      tpu.enqueue_indirect_dma source(%dma_start3A_222 : memref<100000x128xf32, #tpu.memory_space<hbm>>) target(%arg8 : memref<128x128xf32, #tpu.memory_space<vmem>>) offsets(%dma_start3A_219 : memref<128xi32, #tpu.memory_space<vmem>>) semaphore(%arg13 : memref<!tpu.dma_semaphore, #tpu.memory_space<semaphore_mem>>)
      %dma_wait3A_223 = arith.constant 0 : i32
      %dma_wait3A_224 = arith.constant 0 : i32
      %dma_wait3A_225 = tpu.memref_slice %arg3[%dma_wait3A_223, %dma_wait3A_224] : memref<100000x128xf32, #tpu.memory_space<hbm>> -> memref<128x128xf32, #tpu.memory_space<hbm>>
      %dma_wait3A_226 = arith.constant 0 : i32
      %dma_wait3A_227 = arith.constant 0 : i32
      %dma_wait3A_228 = tpu.memref_slice %arg3[%dma_wait3A_226, %dma_wait3A_227] : memref<100000x128xf32, #tpu.memory_space<hbm>> -> memref<128x128xf32, #tpu.memory_space<hbm>>
      tpu.wait_dma2 semaphore(%arg15 : memref<!tpu.dma_semaphore, #tpu.memory_space<semaphore_mem>>) src(%dma_wait3A_228 : memref<128x128xf32, #tpu.memory_space<hbm>>) dst(%arg10 : memref<128x128xf32, #tpu.memory_space<vmem>>)
      %add3A_229 = arith.constant 2 : i32
      %add3A_230 = arith.addi %mul3A_143, %add3A_229 : i32
      %sub3A_231 = arith.constant 3 : i32
      %sub3A_232 = arith.subi %add3A_230, %sub3A_231 : i32
      %mul3A_233 = arith.constant 4096 : i32
      %mul3A_234 = arith.muli %sub3A_232, %mul3A_233 : i32
      %mul3A_235 = arith.constant 128 : i32
      %mul3A_236 = arith.muli %add3A, %mul3A_235 : i32
      %add3A_237 = arith.addi %mul3A_234, %mul3A_236 : i32
      %dma_start3A_238 = arith.constant 0 : i32
      %dma_start3A_239 = tpu.memref_slice %arg4[%add3A_237, %dma_start3A_238] : memref<204800x128xf32, #tpu.memory_space<hbm>> -> memref<128x128xf32, #tpu.memory_space<hbm>>
      %dma_start3A_240 = arith.constant 0 : i32
      %dma_start3A_241 = tpu.memref_slice %arg4[%add3A_237, %dma_start3A_240] : memref<204800x128xf32, #tpu.memory_space<hbm>> -> memref<128x128xf32, #tpu.memory_space<hbm>>
      tpu.enqueue_dma source(%arg10 : memref<128x128xf32, #tpu.memory_space<vmem>>) target(%dma_start3A_241 : memref<128x128xf32, #tpu.memory_space<hbm>>) target_semaphore(%arg20 : memref<!tpu.dma_semaphore, #tpu.memory_space<semaphore_mem>>)
      %dma_wait3A_242 = arith.constant 0 : i32
      %dma_wait3A_243 = arith.constant 0 : i32
      %dma_wait3A_244 = tpu.memref_slice %arg4[%dma_wait3A_242, %dma_wait3A_243] : memref<204800x128xf32, #tpu.memory_space<hbm>> -> memref<128x128xf32, #tpu.memory_space<hbm>>
      %dma_wait3A_245 = arith.constant 0 : i32
      %dma_wait3A_246 = arith.constant 0 : i32
      %dma_wait3A_247 = tpu.memref_slice %arg4[%dma_wait3A_245, %dma_wait3A_246] : memref<204800x128xf32, #tpu.memory_space<hbm>> -> memref<128x128xf32, #tpu.memory_space<hbm>>
      tpu.wait_dma2 semaphore(%arg19 : memref<!tpu.dma_semaphore, #tpu.memory_space<semaphore_mem>>) src(%arg9 : memref<128x128xf32, #tpu.memory_space<vmem>>) dst(%dma_wait3A_247 : memref<128x128xf32, #tpu.memory_space<hbm>>)
      %add3A_248 = arith.constant 3 : i32
      %add3A_249 = arith.addi %mul3A_143, %add3A_248 : i32
      %dma_start3A_250 = arith.constant 0 : i32
      %dma_start3A_251 = tpu.memref_slice %arg5[%add3A_249, %dma_start3A_250] : memref<50x128xi32, #tpu.memory_space<vmem>> -> memref<1x128xi32, #tpu.memory_space<vmem>>
      %dma_start3A_252 = tpu.memref_squeeze %dma_start3A_251 : memref<1x128xi32, #tpu.memory_space<vmem>> -> memref<128xi32, #tpu.memory_space<vmem>>
      %dma_start3A_253 = arith.constant 0 : i32
      %dma_start3A_254 = arith.constant 0 : i32
      %dma_start3A_255 = tpu.memref_slice %arg3[%dma_start3A_253, %dma_start3A_254] : memref<100000x128xf32, #tpu.memory_space<hbm>> -> memref<100000x128xf32, #tpu.memory_space<hbm>>
      tpu.enqueue_indirect_dma source(%dma_start3A_255 : memref<100000x128xf32, #tpu.memory_space<hbm>>) target(%arg9 : memref<128x128xf32, #tpu.memory_space<vmem>>) offsets(%dma_start3A_252 : memref<128xi32, #tpu.memory_space<vmem>>) semaphore(%arg14 : memref<!tpu.dma_semaphore, #tpu.memory_space<semaphore_mem>>)
      %dma_wait3A_256 = arith.constant 0 : i32
      %dma_wait3A_257 = arith.constant 0 : i32
      %dma_wait3A_258 = tpu.memref_slice %arg3[%dma_wait3A_256, %dma_wait3A_257] : memref<100000x128xf32, #tpu.memory_space<hbm>> -> memref<128x128xf32, #tpu.memory_space<hbm>>
      %dma_wait3A_259 = arith.constant 0 : i32
      %dma_wait3A_260 = arith.constant 0 : i32
      %dma_wait3A_261 = tpu.memref_slice %arg3[%dma_wait3A_259, %dma_wait3A_260] : memref<100000x128xf32, #tpu.memory_space<hbm>> -> memref<128x128xf32, #tpu.memory_space<hbm>>
      tpu.wait_dma2 semaphore(%arg11 : memref<!tpu.dma_semaphore, #tpu.memory_space<semaphore_mem>>) src(%dma_wait3A_261 : memref<128x128xf32, #tpu.memory_space<hbm>>) dst(%arg6 : memref<128x128xf32, #tpu.memory_space<vmem>>)
      %add3A_262 = arith.constant 3 : i32
      %add3A_263 = arith.addi %mul3A_143, %add3A_262 : i32
      %sub3A_264 = arith.constant 3 : i32
      %sub3A_265 = arith.subi %add3A_263, %sub3A_264 : i32
      %mul3A_266 = arith.constant 4096 : i32
      %mul3A_267 = arith.muli %sub3A_265, %mul3A_266 : i32
      %mul3A_268 = arith.constant 128 : i32
      %mul3A_269 = arith.muli %add3A, %mul3A_268 : i32
      %add3A_270 = arith.addi %mul3A_267, %mul3A_269 : i32
      %dma_start3A_271 = arith.constant 0 : i32
      %dma_start3A_272 = tpu.memref_slice %arg4[%add3A_270, %dma_start3A_271] : memref<204800x128xf32, #tpu.memory_space<hbm>> -> memref<128x128xf32, #tpu.memory_space<hbm>>
      %dma_start3A_273 = arith.constant 0 : i32
      %dma_start3A_274 = tpu.memref_slice %arg4[%add3A_270, %dma_start3A_273] : memref<204800x128xf32, #tpu.memory_space<hbm>> -> memref<128x128xf32, #tpu.memory_space<hbm>>
      tpu.enqueue_dma source(%arg6 : memref<128x128xf32, #tpu.memory_space<vmem>>) target(%dma_start3A_274 : memref<128x128xf32, #tpu.memory_space<hbm>>) target_semaphore(%arg16 : memref<!tpu.dma_semaphore, #tpu.memory_space<semaphore_mem>>)
      %dma_wait3A_275 = arith.constant 0 : i32
      %dma_wait3A_276 = arith.constant 0 : i32
      %dma_wait3A_277 = tpu.memref_slice %arg4[%dma_wait3A_275, %dma_wait3A_276] : memref<204800x128xf32, #tpu.memory_space<hbm>> -> memref<128x128xf32, #tpu.memory_space<hbm>>
      %dma_wait3A_278 = arith.constant 0 : i32
      %dma_wait3A_279 = arith.constant 0 : i32
      %dma_wait3A_280 = tpu.memref_slice %arg4[%dma_wait3A_278, %dma_wait3A_279] : memref<204800x128xf32, #tpu.memory_space<hbm>> -> memref<128x128xf32, #tpu.memory_space<hbm>>
      tpu.wait_dma2 semaphore(%arg20 : memref<!tpu.dma_semaphore, #tpu.memory_space<semaphore_mem>>) src(%arg10 : memref<128x128xf32, #tpu.memory_space<vmem>>) dst(%dma_wait3A_280 : memref<128x128xf32, #tpu.memory_space<hbm>>)
      %add3A_281 = arith.constant 4 : i32
      %add3A_282 = arith.addi %mul3A_143, %add3A_281 : i32
      %dma_start3A_283 = arith.constant 0 : i32
      %dma_start3A_284 = tpu.memref_slice %arg5[%add3A_282, %dma_start3A_283] : memref<50x128xi32, #tpu.memory_space<vmem>> -> memref<1x128xi32, #tpu.memory_space<vmem>>
      %dma_start3A_285 = tpu.memref_squeeze %dma_start3A_284 : memref<1x128xi32, #tpu.memory_space<vmem>> -> memref<128xi32, #tpu.memory_space<vmem>>
      %dma_start3A_286 = arith.constant 0 : i32
      %dma_start3A_287 = arith.constant 0 : i32
      %dma_start3A_288 = tpu.memref_slice %arg3[%dma_start3A_286, %dma_start3A_287] : memref<100000x128xf32, #tpu.memory_space<hbm>> -> memref<100000x128xf32, #tpu.memory_space<hbm>>
      tpu.enqueue_indirect_dma source(%dma_start3A_288 : memref<100000x128xf32, #tpu.memory_space<hbm>>) target(%arg10 : memref<128x128xf32, #tpu.memory_space<vmem>>) offsets(%dma_start3A_285 : memref<128xi32, #tpu.memory_space<vmem>>) semaphore(%arg15 : memref<!tpu.dma_semaphore, #tpu.memory_space<semaphore_mem>>)
      %dma_wait3A_289 = arith.constant 0 : i32
      %dma_wait3A_290 = arith.constant 0 : i32
      %dma_wait3A_291 = tpu.memref_slice %arg3[%dma_wait3A_289, %dma_wait3A_290] : memref<100000x128xf32, #tpu.memory_space<hbm>> -> memref<128x128xf32, #tpu.memory_space<hbm>>
      %dma_wait3A_292 = arith.constant 0 : i32
      %dma_wait3A_293 = arith.constant 0 : i32
      %dma_wait3A_294 = tpu.memref_slice %arg3[%dma_wait3A_292, %dma_wait3A_293] : memref<100000x128xf32, #tpu.memory_space<hbm>> -> memref<128x128xf32, #tpu.memory_space<hbm>>
      tpu.wait_dma2 semaphore(%arg12 : memref<!tpu.dma_semaphore, #tpu.memory_space<semaphore_mem>>) src(%dma_wait3A_294 : memref<128x128xf32, #tpu.memory_space<hbm>>) dst(%arg7 : memref<128x128xf32, #tpu.memory_space<vmem>>)
      %add3A_295 = arith.constant 4 : i32
      %add3A_296 = arith.addi %mul3A_143, %add3A_295 : i32
      %sub3A_297 = arith.constant 3 : i32
      %sub3A_298 = arith.subi %add3A_296, %sub3A_297 : i32
      %mul3A_299 = arith.constant 4096 : i32
      %mul3A_300 = arith.muli %sub3A_298, %mul3A_299 : i32
      %mul3A_301 = arith.constant 128 : i32
      %mul3A_302 = arith.muli %add3A, %mul3A_301 : i32
      %add3A_303 = arith.addi %mul3A_300, %mul3A_302 : i32
      %dma_start3A_304 = arith.constant 0 : i32
      %dma_start3A_305 = tpu.memref_slice %arg4[%add3A_303, %dma_start3A_304] : memref<204800x128xf32, #tpu.memory_space<hbm>> -> memref<128x128xf32, #tpu.memory_space<hbm>>
      %dma_start3A_306 = arith.constant 0 : i32
      %dma_start3A_307 = tpu.memref_slice %arg4[%add3A_303, %dma_start3A_306] : memref<204800x128xf32, #tpu.memory_space<hbm>> -> memref<128x128xf32, #tpu.memory_space<hbm>>
      tpu.enqueue_dma source(%arg7 : memref<128x128xf32, #tpu.memory_space<vmem>>) target(%dma_start3A_307 : memref<128x128xf32, #tpu.memory_space<hbm>>) target_semaphore(%arg17 : memref<!tpu.dma_semaphore, #tpu.memory_space<semaphore_mem>>)
    }
    %scan3A_68 = arith.constant 9 : i32
    %dma_wait3A_69 = arith.constant 0 : i32
    %dma_wait3A_70 = arith.constant 0 : i32
    %dma_wait3A_71 = tpu.memref_slice %arg3[%dma_wait3A_69, %dma_wait3A_70] : memref<100000x128xf32, #tpu.memory_space<hbm>> -> memref<128x128xf32, #tpu.memory_space<hbm>>
    %dma_wait3A_72 = arith.constant 0 : i32
    %dma_wait3A_73 = arith.constant 0 : i32
    %dma_wait3A_74 = tpu.memref_slice %arg3[%dma_wait3A_72, %dma_wait3A_73] : memref<100000x128xf32, #tpu.memory_space<hbm>> -> memref<128x128xf32, #tpu.memory_space<hbm>>
    tpu.wait_dma2 semaphore(%arg13 : memref<!tpu.dma_semaphore, #tpu.memory_space<semaphore_mem>>) src(%dma_wait3A_74 : memref<128x128xf32, #tpu.memory_space<hbm>>) dst(%arg8 : memref<128x128xf32, #tpu.memory_space<vmem>>)
    %mul3A_75 = arith.constant 128 : i32
    %mul3A_76 = arith.muli %add3A, %mul3A_75 : i32
    %add3A_77 = arith.constant 192512 : i32
    %add3A_78 = arith.addi %add3A_77, %mul3A_76 : i32
    %dma_start3A_79 = arith.constant 0 : i32
    %dma_start3A_80 = tpu.memref_slice %arg4[%add3A_78, %dma_start3A_79] : memref<204800x128xf32, #tpu.memory_space<hbm>> -> memref<128x128xf32, #tpu.memory_space<hbm>>
    %dma_start3A_81 = arith.constant 0 : i32
    %dma_start3A_82 = tpu.memref_slice %arg4[%add3A_78, %dma_start3A_81] : memref<204800x128xf32, #tpu.memory_space<hbm>> -> memref<128x128xf32, #tpu.memory_space<hbm>>
    tpu.enqueue_dma source(%arg8 : memref<128x128xf32, #tpu.memory_space<vmem>>) target(%dma_start3A_82 : memref<128x128xf32, #tpu.memory_space<hbm>>) target_semaphore(%arg18 : memref<!tpu.dma_semaphore, #tpu.memory_space<semaphore_mem>>)
    %dma_wait3A_83 = arith.constant 0 : i32
    %dma_wait3A_84 = arith.constant 0 : i32
    %dma_wait3A_85 = tpu.memref_slice %arg3[%dma_wait3A_83, %dma_wait3A_84] : memref<100000x128xf32, #tpu.memory_space<hbm>> -> memref<128x128xf32, #tpu.memory_space<hbm>>
    %dma_wait3A_86 = arith.constant 0 : i32
    %dma_wait3A_87 = arith.constant 0 : i32
    %dma_wait3A_88 = tpu.memref_slice %arg3[%dma_wait3A_86, %dma_wait3A_87] : memref<100000x128xf32, #tpu.memory_space<hbm>> -> memref<128x128xf32, #tpu.memory_space<hbm>>
    tpu.wait_dma2 semaphore(%arg14 : memref<!tpu.dma_semaphore, #tpu.memory_space<semaphore_mem>>) src(%dma_wait3A_88 : memref<128x128xf32, #tpu.memory_space<hbm>>) dst(%arg9 : memref<128x128xf32, #tpu.memory_space<vmem>>)
    %mul3A_89 = arith.constant 128 : i32
    %mul3A_90 = arith.muli %add3A, %mul3A_89 : i32
    %add3A_91 = arith.constant 196608 : i32
    %add3A_92 = arith.addi %add3A_91, %mul3A_90 : i32
    %dma_start3A_93 = arith.constant 0 : i32
    %dma_start3A_94 = tpu.memref_slice %arg4[%add3A_92, %dma_start3A_93] : memref<204800x128xf32, #tpu.memory_space<hbm>> -> memref<128x128xf32, #tpu.memory_space<hbm>>
    %dma_start3A_95 = arith.constant 0 : i32
    %dma_start3A_96 = tpu.memref_slice %arg4[%add3A_92, %dma_start3A_95] : memref<204800x128xf32, #tpu.memory_space<hbm>> -> memref<128x128xf32, #tpu.memory_space<hbm>>
    tpu.enqueue_dma source(%arg9 : memref<128x128xf32, #tpu.memory_space<vmem>>) target(%dma_start3A_96 : memref<128x128xf32, #tpu.memory_space<hbm>>) target_semaphore(%arg19 : memref<!tpu.dma_semaphore, #tpu.memory_space<semaphore_mem>>)
    %dma_wait3A_97 = arith.constant 0 : i32
    %dma_wait3A_98 = arith.constant 0 : i32
    %dma_wait3A_99 = tpu.memref_slice %arg3[%dma_wait3A_97, %dma_wait3A_98] : memref<100000x128xf32, #tpu.memory_space<hbm>> -> memref<128x128xf32, #tpu.memory_space<hbm>>
    %dma_wait3A_100 = arith.constant 0 : i32
    %dma_wait3A_101 = arith.constant 0 : i32
    %dma_wait3A_102 = tpu.memref_slice %arg3[%dma_wait3A_100, %dma_wait3A_101] : memref<100000x128xf32, #tpu.memory_space<hbm>> -> memref<128x128xf32, #tpu.memory_space<hbm>>
    tpu.wait_dma2 semaphore(%arg15 : memref<!tpu.dma_semaphore, #tpu.memory_space<semaphore_mem>>) src(%dma_wait3A_102 : memref<128x128xf32, #tpu.memory_space<hbm>>) dst(%arg10 : memref<128x128xf32, #tpu.memory_space<vmem>>)
    %mul3A_103 = arith.constant 128 : i32
    %mul3A_104 = arith.muli %add3A, %mul3A_103 : i32
    %add3A_105 = arith.constant 200704 : i32
    %add3A_106 = arith.addi %add3A_105, %mul3A_104 : i32
    %dma_start3A_107 = arith.constant 0 : i32
    %dma_start3A_108 = tpu.memref_slice %arg4[%add3A_106, %dma_start3A_107] : memref<204800x128xf32, #tpu.memory_space<hbm>> -> memref<128x128xf32, #tpu.memory_space<hbm>>
    %dma_start3A_109 = arith.constant 0 : i32
    %dma_start3A_110 = tpu.memref_slice %arg4[%add3A_106, %dma_start3A_109] : memref<204800x128xf32, #tpu.memory_space<hbm>> -> memref<128x128xf32, #tpu.memory_space<hbm>>
    tpu.enqueue_dma source(%arg10 : memref<128x128xf32, #tpu.memory_space<vmem>>) target(%dma_start3A_110 : memref<128x128xf32, #tpu.memory_space<hbm>>) target_semaphore(%arg20 : memref<!tpu.dma_semaphore, #tpu.memory_space<semaphore_mem>>)
    %dma_wait3A_111 = arith.constant 0 : i32
    %dma_wait3A_112 = arith.constant 0 : i32
    %dma_wait3A_113 = tpu.memref_slice %arg4[%dma_wait3A_111, %dma_wait3A_112] : memref<204800x128xf32, #tpu.memory_space<hbm>> -> memref<128x128xf32, #tpu.memory_space<hbm>>
    %dma_wait3A_114 = arith.constant 0 : i32
    %dma_wait3A_115 = arith.constant 0 : i32
    %dma_wait3A_116 = tpu.memref_slice %arg4[%dma_wait3A_114, %dma_wait3A_115] : memref<204800x128xf32, #tpu.memory_space<hbm>> -> memref<128x128xf32, #tpu.memory_space<hbm>>
    tpu.wait_dma2 semaphore(%arg16 : memref<!tpu.dma_semaphore, #tpu.memory_space<semaphore_mem>>) src(%arg6 : memref<128x128xf32, #tpu.memory_space<vmem>>) dst(%dma_wait3A_116 : memref<128x128xf32, #tpu.memory_space<hbm>>)
    %dma_wait3A_117 = arith.constant 0 : i32
    %dma_wait3A_118 = arith.constant 0 : i32
    %dma_wait3A_119 = tpu.memref_slice %arg4[%dma_wait3A_117, %dma_wait3A_118] : memref<204800x128xf32, #tpu.memory_space<hbm>> -> memref<128x128xf32, #tpu.memory_space<hbm>>
    %dma_wait3A_120 = arith.constant 0 : i32
    %dma_wait3A_121 = arith.constant 0 : i32
    %dma_wait3A_122 = tpu.memref_slice %arg4[%dma_wait3A_120, %dma_wait3A_121] : memref<204800x128xf32, #tpu.memory_space<hbm>> -> memref<128x128xf32, #tpu.memory_space<hbm>>
    tpu.wait_dma2 semaphore(%arg17 : memref<!tpu.dma_semaphore, #tpu.memory_space<semaphore_mem>>) src(%arg7 : memref<128x128xf32, #tpu.memory_space<vmem>>) dst(%dma_wait3A_122 : memref<128x128xf32, #tpu.memory_space<hbm>>)
    %dma_wait3A_123 = arith.constant 0 : i32
    %dma_wait3A_124 = arith.constant 0 : i32
    %dma_wait3A_125 = tpu.memref_slice %arg4[%dma_wait3A_123, %dma_wait3A_124] : memref<204800x128xf32, #tpu.memory_space<hbm>> -> memref<128x128xf32, #tpu.memory_space<hbm>>
    %dma_wait3A_126 = arith.constant 0 : i32
    %dma_wait3A_127 = arith.constant 0 : i32
    %dma_wait3A_128 = tpu.memref_slice %arg4[%dma_wait3A_126, %dma_wait3A_127] : memref<204800x128xf32, #tpu.memory_space<hbm>> -> memref<128x128xf32, #tpu.memory_space<hbm>>
    tpu.wait_dma2 semaphore(%arg18 : memref<!tpu.dma_semaphore, #tpu.memory_space<semaphore_mem>>) src(%arg8 : memref<128x128xf32, #tpu.memory_space<vmem>>) dst(%dma_wait3A_128 : memref<128x128xf32, #tpu.memory_space<hbm>>)
    %dma_wait3A_129 = arith.constant 0 : i32
    %dma_wait3A_130 = arith.constant 0 : i32
    %dma_wait3A_131 = tpu.memref_slice %arg4[%dma_wait3A_129, %dma_wait3A_130] : memref<204800x128xf32, #tpu.memory_space<hbm>> -> memref<128x128xf32, #tpu.memory_space<hbm>>
    %dma_wait3A_132 = arith.constant 0 : i32
    %dma_wait3A_133 = arith.constant 0 : i32
    %dma_wait3A_134 = tpu.memref_slice %arg4[%dma_wait3A_132, %dma_wait3A_133] : memref<204800x128xf32, #tpu.memory_space<hbm>> -> memref<128x128xf32, #tpu.memory_space<hbm>>
    tpu.wait_dma2 semaphore(%arg19 : memref<!tpu.dma_semaphore, #tpu.memory_space<semaphore_mem>>) src(%arg9 : memref<128x128xf32, #tpu.memory_space<vmem>>) dst(%dma_wait3A_134 : memref<128x128xf32, #tpu.memory_space<hbm>>)
    %dma_wait3A_135 = arith.constant 0 : i32
    %dma_wait3A_136 = arith.constant 0 : i32
    %dma_wait3A_137 = tpu.memref_slice %arg4[%dma_wait3A_135, %dma_wait3A_136] : memref<204800x128xf32, #tpu.memory_space<hbm>> -> memref<128x128xf32, #tpu.memory_space<hbm>>
    %dma_wait3A_138 = arith.constant 0 : i32
    %dma_wait3A_139 = arith.constant 0 : i32
    %dma_wait3A_140 = tpu.memref_slice %arg4[%dma_wait3A_138, %dma_wait3A_139] : memref<204800x128xf32, #tpu.memory_space<hbm>> -> memref<128x128xf32, #tpu.memory_space<hbm>>
    tpu.wait_dma2 semaphore(%arg20 : memref<!tpu.dma_semaphore, #tpu.memory_space<semaphore_mem>>) src(%arg10 : memref<128x128xf32, #tpu.memory_space<vmem>>) dst(%dma_wait3A_140 : memref<128x128xf32, #tpu.memory_space<hbm>>)
    return
  }
}

</mosaic_0001>

<sc_bundles>
// kernel: kernel.3.cloned.1.call-start
scs
__scs_entry_jumppad:
0x0: {  	(pc) =	sbr.rel $0x88, $3  }
0x1: {  	(tag) =	ssettag $0x0;
	lr =	simm.s32 $0x1  }
0x2: {  	[smem:$0x3F9F] =	sst lr;
	_ =	strace $0xD0000000  }
0x3: {  	_ = 	snop  }
0x4: {  	_ = 	snop  }
0x5: {  	_ = 	snop  }
0x6: {  	_ = 	snop  }
0x7: {  	_ = 	snop  }
__scs_overlays_trampoline_lowered:
0x8: {  	[smem:$0x3FAE] =	sst s0  }
0x9: {  	[smem:$0x3FAF] =	sst s1  }
0xa: {  	[smem:$0x3FB0] =	sst s2  }
0xb: {  	[smem:$0x3FB1] =	sst s3  }
0xc: {  	[smem:$0x3FB2] =	sst s4  }
0xd: {  	[smem:$0x3FB3] =	sst s5  }
0xe: {  	[smem:$0x3FB4] =	sst s6  }
0xf: {  	[smem:$0x3FB5] =	sst s7  }
0x10: {  	[smem:$0x3FB6] =	sst s8  }
0x11: {  	[smem:$0x3FB7] =	sst s9;
	s0 =	simm.s32 @!p0 $0x0  }
0x12: {  	s1 =	sld [smem:$0x3F9D];
	s0 =	simm.s32 @p0 $0x1  }
0x13: {  	[smem:$0x3FB8] =	sst s0;
	s0 =	simm.s32 @!p1 $0x0  }
0x14: {  	s2 =	sld [smem:$0x3F9C];
	s0 =	simm.s32 @p1 $0x1  }
0x15: {  	[smem:$0x3FB9] =	sst s0;
	s0 =	simm.s32 @!p2 $0x0  }
0x16: {  	s3 =	sld [smem:$0x3FDB];
	s0 =	simm.s32 @p2 $0x1  }
0x17: {  	s4 =	simm.s32 $0x1BF5;
	[smem:$0x3FBB] =	sst s0  }
0x18: {  	s0 =	sld [smem:$0x3F9E];
	_ =	swait.ge [sflag:s4], $0x0  }
0x19: {  	s7 =	sld [smem:$0x3F9F]  }
0x1a: {  	s8 =	sadd.s32 $0xFFFFE003, lr  }
0x1b: {  	s9 =	sadd.s32 $0xFFFFFEF7, lr;
	s5 =	simm.s32 $0xFFFFFFFF;
	p2 =	slt.u32 s8, $0xFFFFF086  }
0x1c: {  	p1 =	slt.u32 s9, $0xF7A;
	s5 =	simm.s32 @!p2 $0x0  }
0x1d: {  	s5 =	simm.s32 @p1 $0x1;
	p0 =	seq.s32 s7, s2  }
0x1e: {  	s7 =	smul.u32 @!p0 $0xF7A, s2;
	p2 =	seq.s32 @!p0 s5, $0x0  }
0x1f: {  	s9 =	smul.u32 $0xF7A, s1;
	s8 =	simm.s32 @!p0 $0x1BF5;
	p2 =	por !p2, p0  }
0x20: {  	[sflag:s8] =	ssyncset.s32 @!p0 $0xFFFFF086;
	s6 =	sadd.s32 @!p0 s3, s7;
	s7 =	simm.s32 @!p0 $0x108  }
0x21: {  	s3 =	sadd.s32 s3, s9;
	s6 =	sadd.s32 @!p0 $0x88, s6;
	s7 =	simm.s32 @p2 $0x1082  }
0x22: {  	[simem:s7], [sflag:s8] =	dma.local @!p0 [hbm:s6], $0xF7A  }
0x23: {  	s9 =	sor.u32 $0xD0000000, s2;
	s6 =	simm.s32 $0x108;
	_ =	swait.ge @!p0 [sflag:s8], $0x0  }
0x24: {  	s3 =	sadd.s32 $0x88, s3;
	s6 =	simm.s32 @!p1 $0x1082;
	[sflag:s4] =	ssyncset.s32 $0xFFFFF086  }
0x25: {  	[simem:s6], [sflag:s4] =	dma.local [hbm:s3], $0xF7A  }
0x26: {  	[smem:$0x3F9F] =	sst s1;
	(tag) =	ssettag s2;
	_ =	strace s9  }
0x27: {  	s1 =	sld [smem:$0x3FAF]  }
0x28: {  	s2 =	sld [smem:$0x3FB0]  }
0x29: {  	s4 =	sld [smem:$0x3FB2]  }
0x2a: {  	p0 =	seq.s32 s5, $0x0;
	s5 =	sld [smem:$0x3FB3]  }
0x2b: {  	s6 =	sld [smem:$0x3FB4]  }
0x2c: {  	s7 =	sld [smem:$0x3FB5]  }
0x2d: {  	s3 =	simm.s32 $0x108;
	s8 =	sld [smem:$0x3FB6]  }
0x2e: {  	s3 =	simm.s32 @!p0 $0x1082;
	s9 =	sld [smem:$0x3FB7]  }
0x2f: {  	lr =	sadd.s32 s0, s3;
	s0 =	sld [smem:$0x3FAE]  }
0x30: {  	s3 =	sld [smem:$0x3FB1]  }
0x31: {  	[smem:$0x3FBA] =	sst s10  }
0x32: {  	s10 =	sld [smem:$0x3FB8];
	_ =	sdelay $0x3  }
0x33: {  	p0 =	seq.s32 s10, $0x1;
	s10 =	sld [smem:$0x3FBA];
	_ =	sdelay $0x3  }
0x34: {  	[smem:$0x3FBA] =	sst s10  }
0x35: {  	s10 =	sld [smem:$0x3FB9];
	_ =	sdelay $0x3  }
0x36: {  	p1 =	seq.s32 s10, $0x1;
	s10 =	sld [smem:$0x3FBA];
	_ =	sdelay $0x3  }
0x37: {  	[smem:$0x3FBA] =	sst s10  }
0x38: {  	s10 =	sld [smem:$0x3FBB]  }
0x39: {  	_ = 	snop;
	(pc) =	sbr.ind lr, $3  }
0x3a: {  	_ = 	snop  }
0x3b: {  	_ = 	snop  }
0x3c: {  	p2 =	seq.s32 s10, $0x1;
	s10 =	sld [smem:$0x3FBA]  }
0x3d: {  	_ =	shalt  }
0x3e: {  	_ =	shalt  }
0x3f: {  	_ =	shalt  }
0x40: {  	_ =	shalt  }
0x41: {  	_ =	shalt  }
0x42: {  	_ =	shalt  }
0x43: {  	_ =	shalt  }
0x44: {  	_ =	shalt  }
0x45: {  	_ =	shalt  }
0x46: {  	_ =	shalt  }
0x47: {  	_ =	shalt  }
0x48: {  	_ =	shalt  }
0x49: {  	_ =	shalt  }
0x4a: {  	_ =	shalt  }
0x4b: {  	_ =	shalt  }
0x4c: {  	_ =	shalt  }
0x4d: {  	_ =	shalt  }
0x4e: {  	_ =	shalt  }
0x4f: {  	_ =	shalt  }
0x50: {  	_ =	shalt  }
0x51: {  	_ =	shalt  }
0x52: {  	_ =	shalt  }
0x53: {  	_ =	shalt  }
0x54: {  	_ =	shalt  }
0x55: {  	_ =	shalt  }
0x56: {  	_ =	shalt  }
0x57: {  	_ =	shalt  }
0x58: {  	_ =	shalt  }
0x59: {  	_ =	shalt  }
0x5a: {  	_ =	shalt  }
0x5b: {  	_ =	shalt  }
0x5c: {  	_ =	shalt  }
0x5d: {  	_ =	shalt  }
0x5e: {  	_ =	shalt  }
0x5f: {  	_ =	shalt  }
0x60: {  	_ =	shalt  }
0x61: {  	_ =	shalt  }
0x62: {  	_ =	shalt  }
0x63: {  	_ =	shalt  }
0x64: {  	_ =	shalt  }
0x65: {  	_ =	shalt  }
0x66: {  	_ =	shalt  }
0x67: {  	_ =	shalt  }
0x68: {  	_ =	shalt  }
0x69: {  	_ =	shalt  }
0x6a: {  	_ =	shalt  }
0x6b: {  	_ =	shalt  }
0x6c: {  	_ =	shalt  }
0x6d: {  	_ =	shalt  }
0x6e: {  	_ =	shalt  }
0x6f: {  	_ =	shalt  }
0x70: {  	_ =	shalt  }
0x71: {  	_ =	shalt  }
0x72: {  	_ =	shalt  }
0x73: {  	_ =	shalt  }
0x74: {  	_ =	shalt  }
0x75: {  	_ =	shalt  }
0x76: {  	_ =	shalt  }
0x77: {  	_ =	shalt  }
0x78: {  	_ =	shalt  }
0x79: {  	_ =	shalt  }
0x7a: {  	_ =	shalt  }
0x7b: {  	_ =	shalt  }
0x7c: {  	_ =	shalt  }
0x7d: {  	_ =	shalt  }
0x7e: {  	_ =	shalt  }
0x7f: {  	_ =	shalt  }
0x80: {  	_ =	shalt  }
0x81: {  	_ =	shalt  }
0x82: {  	_ =	shalt  }
0x83: {  	_ =	shalt  }
0x84: {  	_ =	shalt  }
0x85: {  	_ =	shalt  }
0x86: {  	_ =	shalt  }
0x87: {  	_ =	shalt  }
.Lfunc_end0:
.L_simem_size_0:
called_computation_lowered:
.L_overlay_start_0:
0x88: {  	s2 =	sld [smem:$0x3FD9]  }
0x89: {  	s3 =	sld [smem:$0x3FFE];
	_ =	sdelay $0x1  }
0x8a: {  	s1 =	srdreg.scid  }
0x8b: {  	s0 =	sand.u32 $0x1, s1  }
0x8c: {  	s18 =	sshll.u32 s0, $0xA;
	s2 =	sadd.s32 s3, s2  }
0x8d: {  	s2 =	sadd.s32 s2, s18  }
0x8e: {  	[smem:$0x3FC6] =	sst s2  }
0x8f: {  	_ = 	snop  }
0x90: {  	s2 =	sld [smem:$0x3FC9]  }
0x91: {  	s19 =	sld [smem:$0x3FC8]  }
0x92: {  	s4 =	sld [smem:$0x3FD0];
	(tm) =	ssettm $0x1  }
0x93: {  	s5 =	sld [smem:$0x3FFB];
	_ =	sdelay $0x3  }
0x94: {  	_ =	strace s5  }
0x95: {  	s5 =	sld [smem:$0x3FFC];
	_ =	sdelay $0x3  }
0x96: {  	_ =	strace s5  }
0x97: {  	s5 =	sld [smem:$0x3FFD];
	_ =	sdelay $0x3  }
0x98: {  	_ =	strace s5  }
0x99: {  	_ =	strace $0x8FFFFFFF  }
0x9a: {  	s20 =	sld [smem:$0x3FDB];
	_ =	sdelay $0x1  }
0x9b: {  	s6 =	simm.s32 $_scs_section_size  }
0x9c: {  	s7 =	simm.s32 $_size__tile_overlayer_lowered;
	s8 =	simm.s32 $_tile_overlayer_lowered  }
0x9d: {  	s23 =	simm.s32 $0x1BFF;
	s22 =	sshll.u32 s8, $0x1;
	s5 =	sadd.s32 s6, s20  }
0x9e: {  	s9 =	simm.s32 $0x0;
	s21 =	sshll.u32 s7, $0x1;
	s7 =	sadd.s32 s22, s5  }
0x9f: {  	[timem:s9], [sflag:s23] =	dma.local [hbm:s7], s21  }
0xa0: {  	_ =	swait.ge [sflag:s23], s21  }
0xa1: {  	s6 =	ssub.s32 $0x0, s21;
	[sflag:s23] =	ssyncset.done $0x0  }
0xa2: {  	[sflag:s23] =	ssyncadd.s32 s6;
	_ =	sdelay $0x1  }
0xa3: {  	s24 =	simm.s32 $0x1B8B  }
0xa4: {  	_ =	swait.ge [sflag:s24], $0x1  }
0xa5: {  	[sflag:s24] =	ssyncset.done $0x0  }
0xa6: {  	s25 =	simm.s32 $0x1B8E;
	[sflag:s24] =	ssyncadd.s32 $0xFFFFFFFF  }
0xa7: {  	s26 =	simm.s32 $execute0_lowered;
	[smem:$0x3FD2] =	sst s25  }
0xa8: {  	s6 =	sshll.u32 s26, $0x1;
	_ =	strace $0x80000046;
	[dreg:$0x1] =	wrdreg $0xFFFFFFFF  }
0xa9: {  	s28 =	simm.s32 $_size_execute0_lowered;
	s5 =	sadd.s32 s5, s6;
	[dreg:$0x0] =	wrdreg $0x0  }
0xaa: {  	s6 =	sshll.u32 s28, $0x1;
	[dreg:$0x2] =	wrdreg s5  }
0xab: {  	[dreg:$0x3] =	wrdreg s6  }
0xac: {  	[dreg:$0x4] =	wrdreg $0xC0  }
0xad: {  	_ =	task [dreg:s9], $0x5FFFF  }
0xae: {  	[dreg:$0x1] =	wrdreg $0xFFFFFFFF  }
0xaf: {  	[dreg:$0x0] =	wrdreg $0x60  }
0xb0: {  	[dreg:$0x2] =	wrdreg s2  }
0xb1: {  	[dreg:$0x3] =	wrdreg s19  }
0xb2: {  	[dreg:$0x4] =	wrdreg s4  }
0xb3: {  	[dreg:$0x5] =	wrdreg $0x9  }
0xb4: {  	_ =	task.clear_ibuf [dreg:s9], $0x6FFFF;
	_ =	strace $0x90000046  }
0xb5: {  	s29 =	simm.s32 $0x9;
	_ =	strace $0x80000048  }
0xb6: {  	_ =	swait.ge [sflag:s29], $0x1  }
0xb7: {  	[sflag:s29] =	ssyncadd.s32 $0xFFFFFFFF  }
0xb8: {  	_ =	strace $0x90000048  }
0xb9: {  	_ =	sfence  }
0xba: {  	s30 =	sld [smem:$0x0];
	_ =	sdelay $0x2  }
0xbb: {  	s31 =	sshll.u32 s1, $0xD;
	s1 =	sshrl.u32 s1, $0x2  }
0xbc: {  	s3 =	sand.u32 $0x4000, s31;
	s1 =	sadd.s32 s1, s30  }
0xbd: {  	s0 =	sor.u32 s3, s0;
	s1 =	sshll.u32 s1, $0x11  }
0xbe: {  	s0 =	sor.u32 s1, s0  }
0xbf: {  	s0 =	sadd.s32 $0x8F2B, s0  }
0xc0: {  	[sflag:s0] =	ssyncadd.remote.s32 $0x1  }
0xc1: {  	_ =	sfence.sel $0xFFFF  }
0xc2: {  	[dreg:$0x0] =	wrdreg $0xFFFFFFFF;
	(pc) =	sbr.abs _section_cstart, $3  }
0xc3: {  	[dreg:$0x1] =	wrdreg $0xFFFFFFFF  }
0xc4: {  	_ =	task.clear_ibuf [dreg:s9], $0x2FFFF;
	_ =	strace $0x9FFFFFFF  }
0xc5: {  	(tm) =	ssettm $0x7FFFFFFF  }
tec
execute0_lowered:
.L_overlay_start_1:
0x0: {  	(tag) =	ssettag $0x1  }
0x1: {  	s0 =	rddreg [dreg:$0x0]  }
0x2: {  	s1 =	rddreg [dreg:$0x1]  }
0x3: {  	s2 =	rddreg [dreg:$0x2]  }
0x4: {  	s3 =	simm.s32 $0x0;
	s4 =	srdreg.scid;
	s9 =	stileid.u32  }
0x5: {  	s15 =	simm.s32 $0xB;
	s16 =	simm.s32 $0x80;
	s17 =	simm.s32 $0x1C00  }
0x6: {  	s18 =	simm.s32 $0x5C00;
	s20 =	simm.s32 $0x9C00;
	s22 =	simm.s32 $0xDC00  }
0x7: {  	s28 =	simm.s32 $0x6;
	s29 =	simm.s32 $0x3;
	s30 =	simm.s32 $0x7  }
0x8: {  	s31 =	simm.s32 $0x4;
	s12 =	simm.s32 $0x9;
	s13 =	simm.s32 $0xA  }
0x9: {  	s14 =	simm.s32 $0x0;
	[smem:$0x7FF] =	sst s3;
	s8 =	sand.u32 $0x1, s4  }
0xa: {  	s5 =	sshll.u32 s9, $0x8;
	s25 =	sshll.u32 s9, $0xC;
	s4 =	ssub.s32 $0x2, s8  }
0xb: {  	s6 =	sshll.u32 s8, $0x7;
	_ =	strace $0x80000047;
	s7 =	sshrl.u32 s4, $0x1  }
0xc: {  	s26 =	sshll.u32 s8, $0xB;
	s5 =	sor.u32 s6, s5;
	s11 =	ssub.s32 s4, s7  }
0xd: {  	s4 =	sadd.s32 s0, s5;
	s23 =	sshll.u32 s5, $0x4;
	s0 =	sadd.s32 s25, s2  }
0xe: {  	s25 =	simm.s32 $0x11C00;
	s24 =	sadd.s32 $0x6000, s4;
	s6 =	sadd.s32 s2, s23  }
0xf: {  	s0 =	sadd.s32 s26, s0;
	s11 =	smax.u32 s11, $0x1;
	s23 =	simm.s32 $0x1  }
0x10: {  	s26 =	simm.s32 $0x2;
	s2 =	simm.s32 $0x5;
	[dreg:$0x5] =	wrdreg s24  }
0x11: {  	s7 =	sadd.s32 $0x10000, s6;
	s8 =	sadd.s32 $0x2F0000, s6;
	s9 =	sadd.s32 $0x300000, s6  }
0x12: {  	s10 =	sadd.s32 $0x310000, s6;
	[dreg:$0x4] =	wrdreg s0;
	s0 =	simm.s32 $0x8  }
.LBB2_1:
0x13: {  	s5 =	simm.s32 $0x400;
	s19 =	simm.s32 $0x8000  }
0x14: {  	[tilespmem:s3], [sflag:$0xB] =	stream.strided.gather [hbm4b:s4+s5], $0x1800, s19, s5, $0x38;
	[tilespmem:$0x15C00] =	vst v63  }
0x15: {  	s21 =	rddreg [dreg:$0x5];
	s24 =	simm.s32 $0x1800  }
0x16: {  	[tilespmem:s24], [sflag:$0xB] =	stream.linear.gather [hbm4b:s21+s3], $0x100, $0x38;
	[tilespmem:$0x15C00] =	vst v63  }
0x17: {  	_ =	swait.ge [sflag:s15], $0x1900  }
0x18: {  	[sflag:s15] =	ssyncset.done $0x0  }
0x19: {  	[sflag:s15] =	ssyncadd.s32 $0xFFFFE700  }
0x1a: {  	[tilespmem:s17], [sflag:$0x1] =	stream.indirect.gather [hbm4b:s1+s16], $0x80, s3, s16, $0xb8;
	[tilespmem:$0x15C00] =	vst v63  }
0x1b: {  	_ = 	snop  }
0x1c: {  	[tilespmem:s18], [sflag:$0x2] =	stream.indirect.gather [hbm4b:s1+s16], $0x80, s16, s16, $0xb8;
	[tilespmem:$0x15C00] =	vst v63  }
0x1d: {  	s19 =	simm.s32 $0x100  }
0x1e: {  	[tilespmem:s20], [sflag:$0x3] =	stream.indirect.gather [hbm4b:s1+s16], $0x80, s19, s16, $0xb8;
	[tilespmem:$0x15C00] =	vst v63  }
0x1f: {  	s21 =	simm.s32 $0x180  }
0x20: {  	[tilespmem:s22], [sflag:$0x4] =	stream.indirect.gather [hbm4b:s1+s16], $0x80, s21, s16, $0xb8;
	[tilespmem:$0x15C00] =	vst v63  }
0x21: {  	_ =	swait.ge [sflag:s23], $0x4000  }
0x22: {  	[sflag:s23] =	ssyncset.done $0x0  }
0x23: {  	[sflag:s23] =	ssyncadd.s32 $0xFFFFC000  }
0x24: {  	[hbm4b:s6+s3] =	stream.linear.scatter [tilespmem:s17], [sflag:$0x6], $0x4000, $0x38;
	[tilespmem:$0x15C00] =	vst v63  }
0x25: {  	s24 =	simm.s32 $0x200  }
0x26: {  	[tilespmem:s25], [sflag:$0x5] =	stream.indirect.gather [hbm4b:s1+s16], $0x80, s24, s16, $0xb8;
	[tilespmem:$0x15C00] =	vst v63  }
0x27: {  	_ =	swait.ge [sflag:s26], $0x4000  }
0x28: {  	[sflag:s26] =	ssyncset.done $0x0  }
0x29: {  	[sflag:s26] =	ssyncadd.s32 $0xFFFFC000  }
0x2a: {  	[hbm4b:s7+s3] =	stream.linear.scatter [tilespmem:s18], [sflag:$0x7], $0x4000, $0x38;
	[tilespmem:$0x15C00] =	vst v63  }
0x2b: {  	_ =	swait.ge [sflag:s28], $0x4000  }
0x2c: {  	[sflag:s28] =	ssyncset.done $0x0  }
0x2d: {  	s5 =	simm.s32 $0x280;
	[sflag:s28] =	ssyncadd.s32 $0xFFFFC000  }
0x2e: {  	[tilespmem:s17], [sflag:$0x1] =	stream.indirect.gather [hbm4b:s1+s16], $0x80, s5, s16, $0xb8;
	[tilespmem:$0x15C00] =	vst v63  }
0x2f: {  	_ =	swait.ge [sflag:s29], $0x4000  }
0x30: {  	s21 =	rddreg [dreg:$0x4]  }
0x31: {  	[sflag:s29] =	ssyncset.done $0x0;
	s21 =	sadd.s32 $0x0, s21  }
0x32: {  	[sflag:s29] =	ssyncadd.s32 $0xFFFFC000;
	s19 =	sadd.s32 $0x20000, s21  }
0x33: {  	[hbm4b:s19+s3] =	stream.linear.scatter [tilespmem:s20], [sflag:$0x8], $0x4000, $0x38;
	[tilespmem:$0x15C00] =	vst v63  }
0x34: {  	_ =	swait.ge [sflag:s30], $0x4000  }
0x35: {  	[sflag:s30] =	ssyncset.done $0x0  }
0x36: {  	s24 =	simm.s32 $0x300;
	[sflag:s30] =	ssyncadd.s32 $0xFFFFC000  }
0x37: {  	[tilespmem:s18], [sflag:$0x2] =	stream.indirect.gather [hbm4b:s1+s16], $0x80, s24, s16, $0xb8;
	[tilespmem:$0x15C00] =	vst v63  }
0x38: {  	_ =	swait.ge [sflag:s31], $0x4000  }
0x39: {  	[sflag:s31] =	ssyncset.done $0x0  }
0x3a: {  	s5 =	sadd.s32 $0x30000, s21;
	[sflag:s31] =	ssyncadd.s32 $0xFFFFC000  }
0x3b: {  	[hbm4b:s5+s3] =	stream.linear.scatter [tilespmem:s22], [sflag:$0x9], $0x4000, $0x38;
	[tilespmem:$0x15C00] =	vst v63  }
0x3c: {  	_ =	swait.ge [sflag:s0], $0x4000  }
0x3d: {  	[sflag:s0] =	ssyncset.done $0x0  }
0x3e: {  	s24 =	simm.s32 $0x380;
	[sflag:s0] =	ssyncadd.s32 $0xFFFFC000  }
0x3f: {  	[tilespmem:s20], [sflag:$0x3] =	stream.indirect.gather [hbm4b:s1+s16], $0x80, s24, s16, $0xb8;
	[tilespmem:$0x15C00] =	vst v63  }
0x40: {  	_ =	swait.ge [sflag:s2], $0x4000  }
0x41: {  	[sflag:s2] =	ssyncset.done $0x0  }
0x42: {  	s5 =	sadd.s32 $0x40000, s21;
	[sflag:s2] =	ssyncadd.s32 $0xFFFFC000  }
0x43: {  	[hbm4b:s5+s3] =	stream.linear.scatter [tilespmem:s25], [sflag:$0xA], $0x4000, $0x38;
	[tilespmem:$0x15C00] =	vst v63  }
0x44: {  	_ =	swait.ge [sflag:s12], $0x4000  }
0x45: {  	[sflag:s12] =	ssyncset.done $0x0  }
0x46: {  	s24 =	simm.s32 $0x400;
	[sflag:s12] =	ssyncadd.s32 $0xFFFFC000  }
0x47: {  	[tilespmem:s22], [sflag:$0x4] =	stream.indirect.gather [hbm4b:s1+s16], $0x80, s24, s16, $0xb8;
	[tilespmem:$0x15C00] =	vst v63  }
0x48: {  	_ =	swait.ge [sflag:s23], $0x4000  }
0x49: {  	[sflag:s23] =	ssyncset.done $0x0  }
0x4a: {  	s5 =	sadd.s32 $0x50000, s21;
	[sflag:s23] =	ssyncadd.s32 $0xFFFFC000  }
0x4b: {  	[hbm4b:s5+s3] =	stream.linear.scatter [tilespmem:s17], [sflag:$0x6], $0x4000, $0x38;
	[tilespmem:$0x15C00] =	vst v63  }
0x4c: {  	_ =	swait.ge [sflag:s13], $0x4000  }
0x4d: {  	[sflag:s13] =	ssyncset.done $0x0  }
0x4e: {  	s24 =	simm.s32 $0x480;
	[sflag:s13] =	ssyncadd.s32 $0xFFFFC000  }
0x4f: {  	[tilespmem:s25], [sflag:$0x5] =	stream.indirect.gather [hbm4b:s1+s16], $0x80, s24, s16, $0xb8;
	[tilespmem:$0x15C00] =	vst v63  }
0x50: {  	_ =	swait.ge [sflag:s26], $0x4000  }
0x51: {  	s19 =	simm.s32 $0x50000;
	[sflag:s26] =	ssyncset.done $0x0  }
0x52: {  	s24 =	sadd.s32 $0x60000, s21;
	s21 =	simm.s32 $0x700;
	[sflag:s26] =	ssyncadd.s32 $0xFFFFC000  }
.LBB2_2:
0x53: {  	[hbm4b:s24+s3] =	stream.linear.scatter [tilespmem:s18], [sflag:$0x7], $0x4000, $0x38;
	[tilespmem:$0x15C00] =	vst v63  }
0x54: {  	_ =	swait.ge [sflag:s28], $0x4000  }
0x55: {  	[sflag:s28] =	ssyncset.done $0x0  }
0x56: {  	s5 =	sadd.s32 $0xFFFFFE00, s21;
	[sflag:s28] =	ssyncadd.s32 $0xFFFFC000  }
0x57: {  	[tilespmem:s17], [sflag:$0x1] =	stream.indirect.gather [hbm4b:s1+s16], $0x80, s5, s16, $0xb8;
	[tilespmem:$0x15C00] =	vst v63  }
0x58: {  	_ =	swait.ge [sflag:s29], $0x4000  }
0x59: {  	s24 =	smov.u32 s19;
	s5 =	rddreg [dreg:$0x4]  }
0x5a: {  	[sflag:s29] =	ssyncset.done $0x0;
	s24 =	sadd.s32 s24, s5  }
0x5b: {  	[sflag:s29] =	ssyncadd.s32 $0xFFFFC000;
	s5 =	sadd.s32 $0x20000, s24  }
0x5c: {  	[hbm4b:s5+s3] =	stream.linear.scatter [tilespmem:s20], [sflag:$0x8], $0x4000, $0x38;
	[tilespmem:$0x15C00] =	vst v63  }
0x5d: {  	_ =	swait.ge [sflag:s30], $0x4000  }
0x5e: {  	[sflag:s30] =	ssyncset.done $0x0  }
0x5f: {  	s5 =	sadd.s32 $0xFFFFFE80, s21;
	[sflag:s30] =	ssyncadd.s32 $0xFFFFC000  }
0x60: {  	[tilespmem:s18], [sflag:$0x2] =	stream.indirect.gather [hbm4b:s1+s16], $0x80, s5, s16, $0xb8;
	[tilespmem:$0x15C00] =	vst v63  }
0x61: {  	_ =	swait.ge [sflag:s31], $0x4000  }
0x62: {  	[sflag:s31] =	ssyncset.done $0x0  }
0x63: {  	s5 =	sadd.s32 $0x30000, s24;
	[sflag:s31] =	ssyncadd.s32 $0xFFFFC000  }
0x64: {  	[hbm4b:s5+s3] =	stream.linear.scatter [tilespmem:s22], [sflag:$0x9], $0x4000, $0x38;
	[tilespmem:$0x15C00] =	vst v63  }
0x65: {  	_ =	swait.ge [sflag:s0], $0x4000  }
0x66: {  	[sflag:s0] =	ssyncset.done $0x0  }
0x67: {  	s5 =	sadd.s32 $0xFFFFFF00, s21;
	[sflag:s0] =	ssyncadd.s32 $0xFFFFC000  }
0x68: {  	[tilespmem:s20], [sflag:$0x3] =	stream.indirect.gather [hbm4b:s1+s16], $0x80, s5, s16, $0xb8;
	[tilespmem:$0x15C00] =	vst v63  }
0x69: {  	_ =	swait.ge [sflag:s2], $0x4000  }
0x6a: {  	[sflag:s2] =	ssyncset.done $0x0  }
0x6b: {  	s5 =	sadd.s32 $0x40000, s24;
	[sflag:s2] =	ssyncadd.s32 $0xFFFFC000  }
0x6c: {  	[hbm4b:s5+s3] =	stream.linear.scatter [tilespmem:s25], [sflag:$0xA], $0x4000, $0x38;
	[tilespmem:$0x15C00] =	vst v63  }
0x6d: {  	_ =	swait.ge [sflag:s12], $0x4000  }
0x6e: {  	[sflag:s12] =	ssyncset.done $0x0  }
0x6f: {  	s5 =	sadd.s32 $0xFFFFFF80, s21;
	[sflag:s12] =	ssyncadd.s32 $0xFFFFC000  }
0x70: {  	[tilespmem:s22], [sflag:$0x4] =	stream.indirect.gather [hbm4b:s1+s16], $0x80, s5, s16, $0xb8;
	[tilespmem:$0x15C00] =	vst v63  }
0x71: {  	_ =	swait.ge [sflag:s23], $0x4000  }
0x72: {  	[sflag:s23] =	ssyncset.done $0x0  }
0x73: {  	s5 =	sadd.s32 $0x50000, s24;
	[sflag:s23] =	ssyncadd.s32 $0xFFFFC000  }
0x74: {  	[hbm4b:s5+s3] =	stream.linear.scatter [tilespmem:s17], [sflag:$0x6], $0x4000, $0x38;
	[tilespmem:$0x15C00] =	vst v63  }
0x75: {  	_ =	swait.ge [sflag:s13], $0x4000  }
0x76: {  	p0 =	sne.s32 s19, $0x280000;
	[sflag:s13] =	ssyncset.done $0x0  }
.Ltmp0:
0x77: {  	[sflag:s13] =	ssyncadd.s32 $0xFFFFC000;
	(pc) =	sbr.rel @p0 .LBB2_2-.Ltmp0, $4  }
0x78: {  	[tilespmem:s25], [sflag:$0x5] =	stream.indirect.gather [hbm4b:s1+s16], $0x80, s21, s16, $0xb8;
	[tilespmem:$0x15C00] =	vst v63  }
0x79: {  	_ =	swait.ge [sflag:s26], $0x4000  }
0x7a: {  	s19 =	sadd.s32 $0x50000, s19;
	[sflag:s26] =	ssyncset.done $0x0  }
0x7b: {  	s24 =	sadd.s32 $0x60000, s24;
	s21 =	sadd.s32 $0x280, s21;
	[sflag:s26] =	ssyncadd.s32 $0xFFFFC000  }
0x7c: {  	[hbm4b:s24+s3] =	stream.linear.scatter [tilespmem:s18], [sflag:$0x7], $0x4000, $0x38;
	[tilespmem:$0x15C00] =	vst v63  }
0x7d: {  	_ =	swait.ge [sflag:s29], $0x4000  }
0x7e: {  	[sflag:s29] =	ssyncset.done $0x0  }
0x7f: {  	[sflag:s29] =	ssyncadd.s32 $0xFFFFC000  }
0x80: {  	[hbm4b:s8+s3] =	stream.linear.scatter [tilespmem:s20], [sflag:$0x8], $0x4000, $0x38;
	[tilespmem:$0x15C00] =	vst v63  }
0x81: {  	_ =	swait.ge [sflag:s31], $0x4000  }
0x82: {  	[sflag:s31] =	ssyncset.done $0x0  }
0x83: {  	[sflag:s31] =	ssyncadd.s32 $0xFFFFC000  }
0x84: {  	[hbm4b:s9+s3] =	stream.linear.scatter [tilespmem:s22], [sflag:$0x9], $0x4000, $0x38;
	[tilespmem:$0x15C00] =	vst v63  }
0x85: {  	_ =	swait.ge [sflag:s2], $0x4000  }
0x86: {  	[sflag:s2] =	ssyncset.done $0x0  }
0x87: {  	[sflag:s2] =	ssyncadd.s32 $0xFFFFC000  }
0x88: {  	[hbm4b:s10+s3] =	stream.linear.scatter [tilespmem:s25], [sflag:$0xA], $0x4000, $0x38;
	[tilespmem:$0x15C00] =	vst v63  }
0x89: {  	_ =	swait.ge [sflag:s28], $0x4000  }
0x8a: {  	[sflag:s28] =	ssyncset.done $0x0  }
0x8b: {  	[sflag:s28] =	ssyncadd.s32 $0xFFFFC000  }
0x8c: {  	_ =	swait.ge [sflag:s30], $0x4000  }
0x8d: {  	[sflag:s30] =	ssyncset.done $0x0  }
0x8e: {  	[sflag:s30] =	ssyncadd.s32 $0xFFFFC000  }
0x8f: {  	_ =	swait.ge [sflag:s0], $0x4000  }
0x90: {  	[sflag:s0] =	ssyncset.done $0x0  }
0x91: {  	s14 =	sadd.s32 $0x1, s14;
	[sflag:s0] =	ssyncadd.s32 $0xFFFFC000  }
0x92: {  	p0 =	sne.s32 s14, s11;
	_ =	swait.ge [sflag:s12], $0x4000  }
.Ltmp1:
0x93: {  	[sflag:s12] =	ssyncset.done $0x0;
	(pc) =	sbr.rel @p0 .LBB2_1-.Ltmp1, $4  }
0x94: {  	[sflag:s12] =	ssyncadd.s32 $0xFFFFC000  }
0x95: {  	_ =	swait.ge [sflag:s13], $0x4000  }
0x96: {  	[sflag:s13] =	ssyncset.done $0x0  }
0x97: {  	[sflag:s13] =	ssyncadd.s32 $0xFFFFC000  }
0x98: {  	_ =	sfence.sel $0x180000  }
0x99: {  	[bflag:$0x0] =	sbarrier.arrive $0xFFFF  }
0x9a: {  	_ =	strace $0x90000047  }
0x9b: {  	s0 =	stileid.u32;
	[bflag:$0x2] =	sbarrier.arrive $0xFFFF  }
0x9c: {  	p0 =	sne.s32 s0, $0x0;
	s0 =	rddreg [dreg:$0x3]  }
0x9d: {  	s0 =	sadd.s32 @!p0 $0x100000, s0  }
0x9e: {  	[sflag:s0] =	ssyncadd.tile.s32 @!p0 $0x1;
	_ =	shalt  }
.Lfunc_end2:
_tile_overlayer_lowered:
.L_overlay_start_2:
0x9f: {  	(tag) =	ssettag $0x2  }
0xa0: {  	s0 =	rddreg [dreg:$0x0];
	s2 =	stileid.u32  }
0xa1: {  	s1 =	rddreg [dreg:$0x1];
	p0 =	sne.s32 s2, $0x0  }
0xa2: {  	s3 =	rddreg [dreg:$0x2];
	[bflag:$0x3] =	sbarrier.arrive $0xFFFF;
	s2 =	simm.s32 @!p0 $0x1C0B  }
0xa3: {  	[timem:s3], [sflag:s2] =	dma.local @!p0 [hbm:s0], s1  }
0xa4: {  	s0 =	simm.s32 @!p0 $0xB  }
0xa5: {  	_ =	swait.ge @!p0 [sflag:s0], s1  }
0xa6: {  	s1 =	ssub.s32 @!p0 $0x0, s1;
	[sflag:s0] =	ssyncset.done @!p0 $0x0  }
0xa7: {  	[sflag:s0] =	ssyncadd.s32 @!p0 s1  }
0xa8: {  	[bflag:$0x3] =	sbarrier.arrive $0xFFFF  }
0xa9: {  	_ =	shalt  }

</sc_bundles>
